<compile_context>
chip_gen: v7x
topology: tpu7x:2x2x1
jax: 0.10.2.dev20260603
libtpu: 0.0.44.dev20260713+nightly
codegen_flags: <defaults>
</compile_context>

<pallas_src>
import jax
import jax.numpy as jnp
from jax.experimental import pallas as pl

N = 1024
B = 32
D = 64
PRE_K = 4
BB = 2
IN_SZ = 1 + 2 * D


def _bf(x):
    return x.astype(jnp.bfloat16)


def _cell_kernel(in_ref, hx_ref, gw_ref, gb_ref, w_ref, bias_ref, r_ref,
                 aw_ref, ab_ref, pw_ref, pb_ref, s_ref, y_ref, hxo_ref):
    h = hx_ref[...]
    r = r_ref[...]
    aw = aw_ref[...]

    hr = h + r[None]
    hrb = _bf(hr).astype(jnp.float32)
    awb = _bf(aw).astype(jnp.float32)
    logits = jnp.sum(hrb * awb[None, None], axis=(2, 3)) + ab_ref[0]
    m = jnp.max(logits, axis=1, keepdims=True)
    e = jnp.exp(logits - m)
    wts = e / jnp.sum(e, axis=1, keepdims=True)

    x0 = jnp.concatenate(
        [jnp.concatenate([in_ref[i], h[i, 3], h[i, 2]], axis=1)
         for i in range(BB)], axis=1)
    s_bf = s_ref[...]
    x1 = jnp.dot(s_bf, _bf(x0), preferred_element_type=jnp.float32)
    x2 = 2.0 * jnp.dot(s_bf, _bf(x1),
                       preferred_element_type=jnp.float32) - x0

    xc = jnp.concatenate(
        [jnp.concatenate([x0[:, i * IN_SZ:(i + 1) * IN_SZ],
                          x1[:, i * IN_SZ:(i + 1) * IN_SZ],
                          x2[:, i * IN_SZ:(i + 1) * IN_SZ]], axis=1)
         for i in range(BB)], axis=1)
    gc = jnp.dot(_bf(xc), gw_ref[...],
                 preferred_element_type=jnp.float32)
    gb4 = jnp.concatenate([gb_ref[...]] * BB)
    gc = gc + gb4[None, :]

    conv = jnp.where(gc >= 0, gc, 0.01 * gc)
    out = jnp.dot(_bf(conv), w_ref[...],
                  preferred_element_type=jnp.float32)

    hxo_ref[:, 0:3] = h[:, 1:4]
    pwb = _bf(pw_ref[...]).astype(jnp.float32)
    bias = bias_ref[...]
    for i in range(BB):
        att_i = wts[i, 0] * hr[i, 0]
        att_i = att_i + wts[i, 1] * hr[i, 1]
        att_i = att_i + wts[i, 2] * hr[i, 2]
        att_i = att_i + wts[i, 3] * hr[i, 3]
        out_i = out[:, i * D:(i + 1) * D] + bias + att_i
        hxo_ref[i, 3] = out_i
        outb = _bf(out_i).astype(jnp.float32)
        y_ref[i] = jnp.sum(outb * pwb[None, :], axis=1,
                           keepdims=True) + pb_ref[0]


def kernel(inputs, hx_k, gconv_w, gconv_b, W, b, R, att_w, att_b, proj_w,
           proj_b, support):
    gw_r = gconv_w.reshape(IN_SZ, 3, D).transpose(1, 0, 2).reshape(3 * IN_SZ, D)
    gw_bd = _bf(jnp.kron(jnp.eye(BB, dtype=gconv_w.dtype), gw_r))
    w_bd = _bf(jnp.kron(jnp.eye(BB, dtype=W.dtype), W))
    s_bf = _bf(support)
    awm = att_w.reshape(N, D)
    pw = proj_w.reshape(D)

    y, hx_new = pl.pallas_call(
        _cell_kernel,
        grid=(B // BB,),
        in_specs=[
            pl.BlockSpec((BB, N, 1), lambda i: (i, 0, 0)),
            pl.BlockSpec((BB, PRE_K, N, D), lambda i: (i, 0, 0, 0)),
            pl.BlockSpec((3 * IN_SZ * BB, D * BB), lambda i: (0, 0)),
            pl.BlockSpec((D,), lambda i: (0,)),
            pl.BlockSpec((D * BB, D * BB), lambda i: (0, 0)),
            pl.BlockSpec((N, D), lambda i: (0, 0)),
            pl.BlockSpec((PRE_K, N, D), lambda i: (0, 0, 0)),
            pl.BlockSpec((N, D), lambda i: (0, 0)),
            pl.BlockSpec((1,), lambda i: (0,)),
            pl.BlockSpec((D,), lambda i: (0,)),
            pl.BlockSpec((1,), lambda i: (0,)),
            pl.BlockSpec((N, N), lambda i: (0, 0)),
        ],
        out_specs=[
            pl.BlockSpec((BB, N, 1), lambda i: (i, 0, 0)),
            pl.BlockSpec((BB, PRE_K, N, D), lambda i: (i, 0, 0, 0)),
        ],
        out_shape=[
            jax.ShapeDtypeStruct((B, N, 1), jnp.float32),
            jax.ShapeDtypeStruct((B, PRE_K, N, D), jnp.float32),
        ],
    )(inputs[:, :, None], hx_k[0], gw_bd, gconv_b, w_bd, b, R, awm, att_b,
      pw, proj_b, s_bf)
    return y.reshape(B, N), hx_new[None]

# --- scband reference (transcript-rebuilt; emitter-appended) ---
"""Pipeline reference for scband-decoder-model-55989193670746 (READ-ONLY COPY).

The authoritative reference and input builder live on the scoring server;
editing this copy changes nothing except your own understanding.
"""

import jax, jax.numpy as jnp
import numpy as np

N = 1024
B = 32
D = 64          # rnn_units
PRE_K = 4
PRE_V = 2
KDIFF = 2       # max_diffusion_step
NUM_LAYERS = 1
OUT_DIM = 1
NUM_MAT = KDIFF + 1  # one 'laplacian' support


def _build_support():
    # calculate_scaled_laplacian(adj_mx, lambda_max=None), filter_type='laplacian'
    rng = np.random.default_rng(0)
    mask = rng.random((N, N)) < 0.01
    A = (mask * rng.random((N, N))).astype(np.float64)
    A = np.maximum(A, A.T)  # undirected
    np.fill_diagonal(A, 0.0)
    deg = A.sum(axis=1)
    d_inv_sqrt = np.where(deg > 0, 1.0 / np.sqrt(np.maximum(deg, 1e-12)), 0.0)
    L = np.eye(N) - (A * d_inv_sqrt[:, None]) * d_inv_sqrt[None, :]
    lam = float(np.linalg.eigvalsh(L).max())
    S = (2.0 / lam) * L - np.eye(N)
    return S.astype(np.float32)


def setup_inputs(seed: int = 0):
    key = jax.random.key(seed)
    ks = jax.random.split(key, 12)
    inputs = jax.random.normal(ks[0], (B, N * OUT_DIM), dtype=jnp.float32)
    hx_k = jax.random.normal(ks[1], (NUM_LAYERS, B, PRE_K, N, D), dtype=jnp.float32) * 0.1
    in_size = OUT_DIM + D * PRE_V
    gconv_w = jax.random.normal(ks[2], (in_size * NUM_MAT, D), dtype=jnp.float32) * 0.05
    gconv_b = jnp.full((D,), 1.0, dtype=jnp.float32)  # bias_start=1.0
    W = jax.random.normal(ks[3], (D, D), dtype=jnp.float32) * 0.05
    b = jnp.zeros((N, D), dtype=jnp.float32)
    R = jax.random.normal(ks[4], (PRE_K, N, D), dtype=jnp.float32) * 0.05
    att_w = jax.random.normal(ks[5], (1, N * D), dtype=jnp.float32) * 0.01
    att_b = jnp.zeros((1,), dtype=jnp.float32)
    proj_w = jax.random.normal(ks[6], (OUT_DIM, D), dtype=jnp.float32) * 0.05
    proj_b = jnp.zeros((OUT_DIM,), dtype=jnp.float32)
    support = jnp.asarray(_build_support())
    return {"inputs": inputs, "hx_k": hx_k, "gconv_w": gconv_w, "gconv_b": gconv_b,
            "W": W, "b": b, "R": R, "att_w": att_w, "att_b": att_b,
            "proj_w": proj_w, "proj_b": proj_b, "support": support}


def _gconv(inputs, state, support, gw, gb):
    bs = inputs.shape[0]
    x_in = inputs.reshape(bs, N, -1)
    x = jnp.concatenate([x_in, state], axis=2)
    input_size = x.shape[2]
    x0 = jnp.transpose(x, (1, 2, 0)).reshape(N, input_size * bs)
    xs = [x0]
    x1 = support @ x0
    xs.append(x1)
    for _ in range(2, KDIFF + 1):
        x2 = 2.0 * (support @ x1) - x0
        xs.append(x2)
        x1, x0 = x2, x1
    xm = jnp.stack(xs, axis=0).reshape(NUM_MAT, N, input_size, bs)
    xm = jnp.transpose(xm, (3, 1, 2, 0)).reshape(bs * N, input_size * NUM_MAT)
    out = xm @ gw + gb
    return out.reshape(bs, N, D)


def _attention(states, att_w, att_b):
    bs, k = states.shape[0], states.shape[1]
    x = states.reshape(bs, k, -1)
    logits = x @ att_w.T + att_b          # (bs, k, 1)
    w = jax.nn.softmax(logits, axis=1)
    return (x * w).sum(axis=1).reshape(bs, N, D)


def _cell(inputs, hx_k, support, gw, gb, W, b, R, att_w, att_b):
    bs, k, n, d = hx_k.shape
    preH = hx_k[:, -1:]
    for i in range(1, PRE_V):
        preH = jnp.concatenate([preH, hx_k[:, -(i + 1):-i]], axis=-1)
    preH = preH.reshape(bs, n, d * PRE_V)
    conv = jax.nn.leaky_relu(_gconv(inputs, preH, support, gw, gb), negative_slope=0.01)
    new_states = hx_k + R[None]
    out = conv @ W + b[None] + _attention(new_states, att_w, att_b)
    out2 = out.reshape(bs, n * d)
    hx_new = jnp.concatenate([hx_k[:, 1:k], out.reshape(bs, 1, n, d)], axis=1)
    return out2, hx_new


def reference(inputs, hx_k, gconv_w, gconv_b, W, b, R, att_w, att_b, proj_w, proj_b, support):
    output = inputs
    hx_ks = []
    for layer in range(NUM_LAYERS):
        output, new_h = _cell(output, hx_k[layer], support, gconv_w, gconv_b, W, b, R, att_w, att_b)
        hx_ks.append(new_h)
    proj = output.reshape(-1, D) @ proj_w.T + proj_b
    out = proj.reshape(-1, N * OUT_DIM)
    return out, jnp.stack(hx_ks)

if __name__ == "__main__":
    import jax
    _d = setup_inputs()
    print(jax.jit(kernel)(*tuple(_d.values())))

</pallas_src>

<mosaic_0001>
module attributes {stable_mosaic.version = 14 : i64} {
  func.func @_cell_kernel(%arg0: i32, %arg1: memref<2x1024x1xf32, #tpu.memory_space<vmem>>, %arg2: memref<2x4x1024x64xf32, #tpu.memory_space<vmem>>, %arg3: memref<774x128xbf16, #tpu.memory_space<vmem>>, %arg4: memref<64xf32, #tpu.memory_space<vmem>>, %arg5: memref<128x128xbf16, #tpu.memory_space<vmem>>, %arg6: memref<1024x64xf32, #tpu.memory_space<vmem>>, %arg7: memref<4x1024x64xf32, #tpu.memory_space<vmem>>, %arg8: memref<1024x64xf32, #tpu.memory_space<vmem>>, %arg9: memref<1xf32, #tpu.memory_space<vmem>>, %arg10: memref<64xf32, #tpu.memory_space<vmem>>, %arg11: memref<1xf32, #tpu.memory_space<vmem>>, %arg12: memref<1024x1024xbf16, #tpu.memory_space<vmem>>, %arg13: memref<2x1024x1xf32, #tpu.memory_space<vmem>>, %arg14: memref<2x4x1024x64xf32, #tpu.memory_space<vmem>>) attributes {dimension_semantics = [#tpu.dimension_semantics<arbitrary>], iteration_bounds = array<i64: 16>, scalar_prefetch = 0 : i64, scratch_operands = 0 : i64, tpu.core_type = #tpu.core_type<tc>, window_params = [{transform_indices = @transform_0, window_bounds = array<i64: 2, 1024, 1>}, {transform_indices = @transform_1, window_bounds = array<i64: 2, 4, 1024, 64>}, {pipeline_mode = #tpu.pipeline_mode<synchronous>, transform_indices = @transform_2, window_bounds = array<i64: 774, 128>}, {pipeline_mode = #tpu.pipeline_mode<synchronous>, transform_indices = @transform_3, window_bounds = array<i64: 64>}, {pipeline_mode = #tpu.pipeline_mode<synchronous>, transform_indices = @transform_4, window_bounds = array<i64: 128, 128>}, {pipeline_mode = #tpu.pipeline_mode<synchronous>, transform_indices = @transform_5, window_bounds = array<i64: 1024, 64>}, {pipeline_mode = #tpu.pipeline_mode<synchronous>, transform_indices = @transform_6, window_bounds = array<i64: 4, 1024, 64>}, {pipeline_mode = #tpu.pipeline_mode<synchronous>, transform_indices = @transform_7, window_bounds = array<i64: 1024, 64>}, {pipeline_mode = #tpu.pipeline_mode<synchronous>, transform_indices = @transform_8, window_bounds = array<i64: 1>}, {pipeline_mode = #tpu.pipeline_mode<synchronous>, transform_indices = @transform_9, window_bounds = array<i64: 64>}, {pipeline_mode = #tpu.pipeline_mode<synchronous>, transform_indices = @transform_10, window_bounds = array<i64: 1>}, {pipeline_mode = #tpu.pipeline_mode<synchronous>, transform_indices = @transform_11, window_bounds = array<i64: 1024, 1024>}, {transform_indices = @transform_12, window_bounds = array<i64: 2, 1024, 1>}, {transform_indices = @transform_13, window_bounds = array<i64: 2, 4, 1024, 64>}]} {
    %get3A = arith.constant 0 : index
    %get3A_0 = arith.constant 0 : index
    %get3A_1 = arith.constant 0 : index
    %get3A_2 = arith.constant 0 : index
    %get3A_3 = vector.load %arg2[%get3A, %get3A_0, %get3A_1, %get3A_2] : memref<2x4x1024x64xf32, #tpu.memory_space<vmem>>, vector<2x4x1024x64xf32>
    %get3A_4 = arith.constant 0 : index
    %get3A_5 = arith.constant 0 : index
    %get3A_6 = arith.constant 0 : index
    %get3A_7 = vector.load %arg7[%get3A_4, %get3A_5, %get3A_6] : memref<4x1024x64xf32, #tpu.memory_space<vmem>>, vector<4x1024x64xf32>
    %get3A_8 = arith.constant 0 : index
    %get3A_9 = arith.constant 0 : index
    %get3A_10 = vector.load %arg8[%get3A_8, %get3A_9] : memref<1024x64xf32, #tpu.memory_space<vmem>>, vector<1024x64xf32>
    %broadcast_in_dim3A = vector.shape_cast %get3A_7 : vector<4x1024x64xf32> to vector<1x4x1024x64xf32>
    %add3A = vector.broadcast %broadcast_in_dim3A : vector<1x4x1024x64xf32> to vector<2x4x1024x64xf32>
    %add3A_11 = arith.addf %get3A_3, %add3A : vector<2x4x1024x64xf32>
    %convert_element_type3A = arith.truncf %add3A_11 : vector<2x4x1024x64xf32> to vector<2x4x1024x64xbf16>
    %convert_element_type3A_12 = arith.extf %convert_element_type3A : vector<2x4x1024x64xbf16> to vector<2x4x1024x64xf32>
    %convert_element_type3A_13 = arith.truncf %get3A_10 : vector<1024x64xf32> to vector<1024x64xbf16>
    %convert_element_type3A_14 = arith.extf %convert_element_type3A_13 : vector<1024x64xbf16> to vector<1024x64xf32>
    %broadcast_in_dim3A_15 = vector.shape_cast %convert_element_type3A_14 : vector<1024x64xf32> to vector<1x1x1024x64xf32>
    %mul3A = vector.broadcast %broadcast_in_dim3A_15 : vector<1x1x1024x64xf32> to vector<2x4x1024x64xf32>
    %mul3A_16 = arith.mulf %convert_element_type3A_12, %mul3A : vector<2x4x1024x64xf32>
    %reduce_sum3A = arith.constant dense<0.000000e+00> : vector<2x4xf32>
    %reduce_sum3A_17 = vector.multi_reduction <add>, %mul3A_16, %reduce_sum3A [2, 3] : vector<2x4x1024x64xf32> to vector<2x4xf32>
    %get3A_18 = arith.constant 0 : index
    %get3A_19 = vector.load %arg9[%get3A_18] : memref<1xf32, #tpu.memory_space<vmem>>, vector<1xf32>
    %get3A_20 = vector.extract %get3A_19[0] : f32 from vector<1xf32>
    %add3A_21 = vector.broadcast %get3A_20 : f32 to vector<2x4xf32>
    %add3A_22 = arith.addf %reduce_sum3A_17, %add3A_21 : vector<2x4xf32>
    %reduce_max3A = arith.constant dense<0xFF800000> : vector<2xf32>
    %reduce_max3A_23 = vector.multi_reduction <maximumf>, %add3A_22, %reduce_max3A [1] : vector<2x4xf32> to vector<2xf32>
    %broadcast_in_dim3A_24 = vector.shape_cast %reduce_max3A_23 : vector<2xf32> to vector<2x1xf32>
    %sub3A = vector.broadcast %broadcast_in_dim3A_24 : vector<2x1xf32> to vector<2x4xf32>
    %sub3A_25 = arith.subf %add3A_22, %sub3A : vector<2x4xf32>
    %exp3A = math.exp %sub3A_25 : vector<2x4xf32>
    %reduce_sum3A_26 = arith.constant dense<0.000000e+00> : vector<2xf32>
    %reduce_sum3A_27 = vector.multi_reduction <add>, %exp3A, %reduce_sum3A_26 [1] : vector<2x4xf32> to vector<2xf32>
    %broadcast_in_dim3A_28 = vector.shape_cast %reduce_sum3A_27 : vector<2xf32> to vector<2x1xf32>
    %div3A = vector.broadcast %broadcast_in_dim3A_28 : vector<2x1xf32> to vector<2x4xf32>
    %div3A_29 = arith.divf %exp3A, %div3A : vector<2x4xf32>
    %get3A_30 = arith.constant 0 : index
    %get3A_31 = arith.constant 0 : index
    %get3A_32 = arith.constant 0 : index
    %get3A_33 = vector.load %arg1[%get3A_30, %get3A_31, %get3A_32] : memref<2x1024x1xf32, #tpu.memory_space<vmem>>, vector<1x1024x1xf32>
    %get3A_34 = vector.shape_cast %get3A_33 : vector<1x1024x1xf32> to vector<1024x1xf32>
    %slice3A = vector.extract_strided_slice %get3A_3 {offsets = [0, 3, 0, 0], sizes = [1, 1, 1024, 64], strides = [1, 1, 1, 1]} : vector<2x4x1024x64xf32> to vector<1x1x1024x64xf32>
    %squeeze3A = vector.shape_cast %slice3A : vector<1x1x1024x64xf32> to vector<1024x64xf32>
    %slice3A_35 = vector.extract_strided_slice %get3A_3 {offsets = [0, 2, 0, 0], sizes = [1, 1, 1024, 64], strides = [1, 1, 1, 1]} : vector<2x4x1024x64xf32> to vector<1x1x1024x64xf32>
    %squeeze3A_36 = vector.shape_cast %slice3A_35 : vector<1x1x1024x64xf32> to vector<1024x64xf32>
    %concatenate3A = tpu.concatenate %get3A_34, %squeeze3A, %squeeze3A_36 in 1 : vector<1024x1xf32>, vector<1024x64xf32>, vector<1024x64xf32> -> vector<1024x129xf32>
    %get3A_37 = arith.constant 1 : index
    %get3A_38 = arith.constant 0 : index
    %get3A_39 = arith.constant 0 : index
    %get3A_40 = vector.load %arg1[%get3A_37, %get3A_38, %get3A_39] : memref<2x1024x1xf32, #tpu.memory_space<vmem>>, vector<1x1024x1xf32>
    %get3A_41 = vector.shape_cast %get3A_40 : vector<1x1024x1xf32> to vector<1024x1xf32>
    %slice3A_42 = vector.extract_strided_slice %get3A_3 {offsets = [1, 3, 0, 0], sizes = [1, 1, 1024, 64], strides = [1, 1, 1, 1]} : vector<2x4x1024x64xf32> to vector<1x1x1024x64xf32>
    %squeeze3A_43 = vector.shape_cast %slice3A_42 : vector<1x1x1024x64xf32> to vector<1024x64xf32>
    %slice3A_44 = vector.extract_strided_slice %get3A_3 {offsets = [1, 2, 0, 0], sizes = [1, 1, 1024, 64], strides = [1, 1, 1, 1]} : vector<2x4x1024x64xf32> to vector<1x1x1024x64xf32>
    %squeeze3A_45 = vector.shape_cast %slice3A_44 : vector<1x1x1024x64xf32> to vector<1024x64xf32>
    %concatenate3A_46 = tpu.concatenate %get3A_41, %squeeze3A_43, %squeeze3A_45 in 1 : vector<1024x1xf32>, vector<1024x64xf32>, vector<1024x64xf32> -> vector<1024x129xf32>
    %concatenate3A_47 = tpu.concatenate %concatenate3A, %concatenate3A_46 in 1 : vector<1024x129xf32>, vector<1024x129xf32> -> vector<1024x258xf32>
    %get3A_48 = arith.constant 0 : index
    %get3A_49 = arith.constant 0 : index
    %get3A_50 = vector.load %arg12[%get3A_48, %get3A_49] : memref<1024x1024xbf16, #tpu.memory_space<vmem>>, vector<1024x1024xbf16>
    %convert_element_type3A_51 = arith.truncf %concatenate3A_47 : vector<1024x258xf32> to vector<1024x258xbf16>
    %dot_general3A = arith.constant dense<0.000000e+00> : vector<1024x258xf32>
    %dot_general3A_52 = tpu.matmul %get3A_50, %convert_element_type3A_51, %dot_general3A {dimension_numbers = #tpu.dot_dimension_numbers<[1], [0], [0], [1], [0, 0, 1, 1], [], []>, transpose_lhs_hint = false} : vector<1024x1024xbf16>, vector<1024x258xbf16>, vector<1024x258xf32> -> vector<1024x258xf32>
    %convert_element_type3A_53 = arith.truncf %dot_general3A_52 : vector<1024x258xf32> to vector<1024x258xbf16>
    %dot_general3A_54 = arith.constant dense<0.000000e+00> : vector<1024x258xf32>
    %dot_general3A_55 = tpu.matmul %get3A_50, %convert_element_type3A_53, %dot_general3A_54 {dimension_numbers = #tpu.dot_dimension_numbers<[1], [0], [0], [1], [0, 0, 1, 1], [], []>, transpose_lhs_hint = false} : vector<1024x1024xbf16>, vector<1024x258xbf16>, vector<1024x258xf32> -> vector<1024x258xf32>
    %mul3A_56 = arith.constant 2.000000e+00 : f32
    %mul3A_57 = vector.broadcast %mul3A_56 : f32 to vector<1024x258xf32>
    %mul3A_58 = arith.mulf %mul3A_57, %dot_general3A_55 : vector<1024x258xf32>
    %sub3A_59 = arith.subf %mul3A_58, %concatenate3A_47 : vector<1024x258xf32>
    %slice3A_60 = vector.extract_strided_slice %concatenate3A_47 {offsets = [0, 0], sizes = [1024, 129], strides = [1, 1]} : vector<1024x258xf32> to vector<1024x129xf32>
    %slice3A_61 = vector.extract_strided_slice %dot_general3A_52 {offsets = [0, 0], sizes = [1024, 129], strides = [1, 1]} : vector<1024x258xf32> to vector<1024x129xf32>
    %slice3A_62 = vector.extract_strided_slice %sub3A_59 {offsets = [0, 0], sizes = [1024, 129], strides = [1, 1]} : vector<1024x258xf32> to vector<1024x129xf32>
    %concatenate3A_63 = tpu.concatenate %slice3A_60, %slice3A_61, %slice3A_62 in 1 : vector<1024x129xf32>, vector<1024x129xf32>, vector<1024x129xf32> -> vector<1024x387xf32>
    %slice3A_64 = vector.extract_strided_slice %concatenate3A_47 {offsets = [0, 129], sizes = [1024, 129], strides = [1, 1]} : vector<1024x258xf32> to vector<1024x129xf32>
    %slice3A_65 = vector.extract_strided_slice %dot_general3A_52 {offsets = [0, 129], sizes = [1024, 129], strides = [1, 1]} : vector<1024x258xf32> to vector<1024x129xf32>
    %slice3A_66 = vector.extract_strided_slice %sub3A_59 {offsets = [0, 129], sizes = [1024, 129], strides = [1, 1]} : vector<1024x258xf32> to vector<1024x129xf32>
    %concatenate3A_67 = tpu.concatenate %slice3A_64, %slice3A_65, %slice3A_66 in 1 : vector<1024x129xf32>, vector<1024x129xf32>, vector<1024x129xf32> -> vector<1024x387xf32>
    %concatenate3A_68 = tpu.concatenate %concatenate3A_63, %concatenate3A_67 in 1 : vector<1024x387xf32>, vector<1024x387xf32> -> vector<1024x774xf32>
    %convert_element_type3A_69 = arith.truncf %concatenate3A_68 : vector<1024x774xf32> to vector<1024x774xbf16>
    %get3A_70 = arith.constant 0 : index
    %get3A_71 = arith.constant 0 : index
    %get3A_72 = vector.load %arg3[%get3A_70, %get3A_71] : memref<774x128xbf16, #tpu.memory_space<vmem>>, vector<774x128xbf16>
    %dot_general3A_73 = arith.constant dense<0.000000e+00> : vector<1024x128xf32>
    %dot_general3A_74 = tpu.matmul %convert_element_type3A_69, %get3A_72, %dot_general3A_73 {dimension_numbers = #tpu.dot_dimension_numbers<[1], [0], [0], [1], [0, 0, 1, 1], [], []>, transpose_lhs_hint = false} : vector<1024x774xbf16>, vector<774x128xbf16>, vector<1024x128xf32> -> vector<1024x128xf32>
    %get3A_75 = arith.constant 0 : index
    %get3A_76 = vector.load %arg4[%get3A_75] : memref<64xf32, #tpu.memory_space<vmem>>, vector<64xf32>
    %concatenate3A_77 = tpu.concatenate %get3A_76, %get3A_76 in 0 : vector<64xf32>, vector<64xf32> -> vector<128xf32>
    %broadcast_in_dim3A_78 = vector.shape_cast %concatenate3A_77 : vector<128xf32> to vector<1x128xf32>
    %add3A_79 = vector.broadcast %broadcast_in_dim3A_78 : vector<1x128xf32> to vector<1024x128xf32>
    %add3A_80 = arith.addf %dot_general3A_74, %add3A_79 : vector<1024x128xf32>
    %ge3A = arith.constant 0.000000e+00 : f32
    %ge3A_81 = vector.broadcast %ge3A : f32 to vector<1024x128xf32>
    %ge3A_82 = arith.cmpf oge, %add3A_80, %ge3A_81 : vector<1024x128xf32>
    %mul3A_83 = arith.constant 0.00999999977 : f32
    %mul3A_84 = vector.broadcast %mul3A_83 : f32 to vector<1024x128xf32>
    %mul3A_85 = arith.mulf %mul3A_84, %add3A_80 : vector<1024x128xf32>
    %select_n3A = arith.select %ge3A_82, %add3A_80, %mul3A_85 : vector<1024x128xi1>, vector<1024x128xf32>
    %convert_element_type3A_86 = arith.truncf %select_n3A : vector<1024x128xf32> to vector<1024x128xbf16>
    %get3A_87 = arith.constant 0 : index
    %get3A_88 = arith.constant 0 : index
    %get3A_89 = vector.load %arg5[%get3A_87, %get3A_88] : memref<128x128xbf16, #tpu.memory_space<vmem>>, vector<128x128xbf16>
    %dot_general3A_90 = arith.constant dense<0.000000e+00> : vector<1024x128xf32>
    %dot_general3A_91 = tpu.matmul %convert_element_type3A_86, %get3A_89, %dot_general3A_90 {dimension_numbers = #tpu.dot_dimension_numbers<[1], [0], [0], [1], [0, 0, 1, 1], [], []>, transpose_lhs_hint = false} : vector<1024x128xbf16>, vector<128x128xbf16>, vector<1024x128xf32> -> vector<1024x128xf32>
    %slice3A_92 = vector.extract_strided_slice %get3A_3 {offsets = [0, 1, 0, 0], sizes = [2, 3, 1024, 64], strides = [1, 1, 1, 1]} : vector<2x4x1024x64xf32> to vector<2x3x1024x64xf32>
    %swap3A = arith.constant 0 : index
    %swap3A_93 = arith.constant 0 : index
    %swap3A_94 = arith.constant 0 : index
    %swap3A_95 = arith.constant 0 : index
    %swap3A_96 = vector.load %arg14[%swap3A, %swap3A_93, %swap3A_94, %swap3A_95] : memref<2x4x1024x64xf32, #tpu.memory_space<vmem>>, vector<2x3x1024x64xf32>
    tpu.vector_store %arg14[%swap3A, %swap3A_93, %swap3A_94, %swap3A_95], %slice3A_92 {strides = array<i32>} : memref<2x4x1024x64xf32, #tpu.memory_space<vmem>>, vector<2x3x1024x64xf32>,
    %get3A_97 = arith.constant 0 : index
    %get3A_98 = vector.load %arg10[%get3A_97] : memref<64xf32, #tpu.memory_space<vmem>>, vector<64xf32>
    %convert_element_type3A_99 = arith.truncf %get3A_98 : vector<64xf32> to vector<64xbf16>
    %convert_element_type3A_100 = arith.extf %convert_element_type3A_99 : vector<64xbf16> to vector<64xf32>
    %get3A_101 = arith.constant 0 : index
    %get3A_102 = arith.constant 0 : index
    %get3A_103 = vector.load %arg6[%get3A_101, %get3A_102] : memref<1024x64xf32, #tpu.memory_space<vmem>>, vector<1024x64xf32>
    %slice3A_104 = vector.extract_strided_slice %div3A_29 {offsets = [0, 0], sizes = [1, 1], strides = [1, 1]} : vector<2x4xf32> to vector<1x1xf32>
    %squeeze3A_105 = vector.extract %slice3A_104[0, 0] : f32 from vector<1x1xf32>
    %slice3A_106 = vector.extract_strided_slice %add3A_11 {offsets = [0, 0, 0, 0], sizes = [1, 1, 1024, 64], strides = [1, 1, 1, 1]} : vector<2x4x1024x64xf32> to vector<1x1x1024x64xf32>
    %squeeze3A_107 = vector.shape_cast %slice3A_106 : vector<1x1x1024x64xf32> to vector<1024x64xf32>
    %mul3A_108 = vector.broadcast %squeeze3A_105 : f32 to vector<1024x64xf32>
    %mul3A_109 = arith.mulf %mul3A_108, %squeeze3A_107 : vector<1024x64xf32>
    %slice3A_110 = vector.extract_strided_slice %div3A_29 {offsets = [0, 1], sizes = [1, 1], strides = [1, 1]} : vector<2x4xf32> to vector<1x1xf32>
    %squeeze3A_111 = vector.extract %slice3A_110[0, 0] : f32 from vector<1x1xf32>
    %slice3A_112 = vector.extract_strided_slice %add3A_11 {offsets = [0, 1, 0, 0], sizes = [1, 1, 1024, 64], strides = [1, 1, 1, 1]} : vector<2x4x1024x64xf32> to vector<1x1x1024x64xf32>
    %squeeze3A_113 = vector.shape_cast %slice3A_112 : vector<1x1x1024x64xf32> to vector<1024x64xf32>
    %mul3A_114 = vector.broadcast %squeeze3A_111 : f32 to vector<1024x64xf32>
    %mul3A_115 = arith.mulf %mul3A_114, %squeeze3A_113 : vector<1024x64xf32>
    %add3A_116 = arith.addf %mul3A_109, %mul3A_115 : vector<1024x64xf32>
    %slice3A_117 = vector.extract_strided_slice %div3A_29 {offsets = [0, 2], sizes = [1, 1], strides = [1, 1]} : vector<2x4xf32> to vector<1x1xf32>
    %squeeze3A_118 = vector.extract %slice3A_117[0, 0] : f32 from vector<1x1xf32>
    %slice3A_119 = vector.extract_strided_slice %add3A_11 {offsets = [0, 2, 0, 0], sizes = [1, 1, 1024, 64], strides = [1, 1, 1, 1]} : vector<2x4x1024x64xf32> to vector<1x1x1024x64xf32>
    %squeeze3A_120 = vector.shape_cast %slice3A_119 : vector<1x1x1024x64xf32> to vector<1024x64xf32>
    %mul3A_121 = vector.broadcast %squeeze3A_118 : f32 to vector<1024x64xf32>
    %mul3A_122 = arith.mulf %mul3A_121, %squeeze3A_120 : vector<1024x64xf32>
    %add3A_123 = arith.addf %add3A_116, %mul3A_122 : vector<1024x64xf32>
    %slice3A_124 = vector.extract_strided_slice %div3A_29 {offsets = [0, 3], sizes = [1, 1], strides = [1, 1]} : vector<2x4xf32> to vector<1x1xf32>
    %squeeze3A_125 = vector.extract %slice3A_124[0, 0] : f32 from vector<1x1xf32>
    %slice3A_126 = vector.extract_strided_slice %add3A_11 {offsets = [0, 3, 0, 0], sizes = [1, 1, 1024, 64], strides = [1, 1, 1, 1]} : vector<2x4x1024x64xf32> to vector<1x1x1024x64xf32>
    %squeeze3A_127 = vector.shape_cast %slice3A_126 : vector<1x1x1024x64xf32> to vector<1024x64xf32>
    %mul3A_128 = vector.broadcast %squeeze3A_125 : f32 to vector<1024x64xf32>
    %mul3A_129 = arith.mulf %mul3A_128, %squeeze3A_127 : vector<1024x64xf32>
    %add3A_130 = arith.addf %add3A_123, %mul3A_129 : vector<1024x64xf32>
    %slice3A_131 = vector.extract_strided_slice %dot_general3A_91 {offsets = [0, 0], sizes = [1024, 64], strides = [1, 1]} : vector<1024x128xf32> to vector<1024x64xf32>
    %add3A_132 = arith.addf %slice3A_131, %get3A_103 : vector<1024x64xf32>
    %add3A_133 = arith.addf %add3A_132, %add3A_130 : vector<1024x64xf32>
    %swap3A_134 = arith.constant 0 : index
    %swap3A_135 = arith.constant 3 : index
    %swap3A_136 = arith.constant 0 : index
    %swap3A_137 = arith.constant 0 : index
    %swap3A_138 = vector.load %arg14[%swap3A_134, %swap3A_135, %swap3A_136, %swap3A_137] : memref<2x4x1024x64xf32, #tpu.memory_space<vmem>>, vector<1x1x1024x64xf32>
    %swap3A_139 = vector.shape_cast %swap3A_138 : vector<1x1x1024x64xf32> to vector<1024x64xf32>
    %swap3A_140 = vector.shape_cast %add3A_133 : vector<1024x64xf32> to vector<1x1x1024x64xf32>
    tpu.vector_store %arg14[%swap3A_134, %swap3A_135, %swap3A_136, %swap3A_137], %swap3A_140 {strides = array<i32>} : memref<2x4x1024x64xf32, #tpu.memory_space<vmem>>, vector<1x1x1024x64xf32>,
    %convert_element_type3A_141 = arith.truncf %add3A_133 : vector<1024x64xf32> to vector<1024x64xbf16>
    %convert_element_type3A_142 = arith.extf %convert_element_type3A_141 : vector<1024x64xbf16> to vector<1024x64xf32>
    %broadcast_in_dim3A_143 = vector.shape_cast %convert_element_type3A_100 : vector<64xf32> to vector<1x64xf32>
    %mul3A_144 = vector.broadcast %broadcast_in_dim3A_143 : vector<1x64xf32> to vector<1024x64xf32>
    %mul3A_145 = arith.mulf %convert_element_type3A_142, %mul3A_144 : vector<1024x64xf32>
    %reduce_sum3A_146 = arith.constant dense<0.000000e+00> : vector<1024xf32>
    %reduce_sum3A_147 = vector.multi_reduction <add>, %mul3A_145, %reduce_sum3A_146 [1] : vector<1024x64xf32> to vector<1024xf32>
    %broadcast_in_dim3A_148 = vector.shape_cast %reduce_sum3A_147 : vector<1024xf32> to vector<1024x1xf32>
    %get3A_149 = arith.constant 0 : index
    %get3A_150 = vector.load %arg11[%get3A_149] : memref<1xf32, #tpu.memory_space<vmem>>, vector<1xf32>
    %get3A_151 = vector.extract %get3A_150[0] : f32 from vector<1xf32>
    %add3A_152 = vector.broadcast %get3A_151 : f32 to vector<1024x1xf32>
    %add3A_153 = arith.addf %broadcast_in_dim3A_148, %add3A_152 : vector<1024x1xf32>
    %swap3A_154 = arith.constant 0 : index
    %swap3A_155 = arith.constant 0 : index
    %swap3A_156 = arith.constant 0 : index
    %swap3A_157 = vector.load %arg13[%swap3A_154, %swap3A_155, %swap3A_156] : memref<2x1024x1xf32, #tpu.memory_space<vmem>>, vector<1x1024x1xf32>
    %swap3A_158 = vector.shape_cast %swap3A_157 : vector<1x1024x1xf32> to vector<1024x1xf32>
    %swap3A_159 = vector.shape_cast %add3A_153 : vector<1024x1xf32> to vector<1x1024x1xf32>
    tpu.vector_store %arg13[%swap3A_154, %swap3A_155, %swap3A_156], %swap3A_159 {strides = array<i32>} : memref<2x1024x1xf32, #tpu.memory_space<vmem>>, vector<1x1024x1xf32>,
    %slice3A_160 = vector.extract_strided_slice %div3A_29 {offsets = [1, 0], sizes = [1, 1], strides = [1, 1]} : vector<2x4xf32> to vector<1x1xf32>
    %squeeze3A_161 = vector.extract %slice3A_160[0, 0] : f32 from vector<1x1xf32>
    %slice3A_162 = vector.extract_strided_slice %add3A_11 {offsets = [1, 0, 0, 0], sizes = [1, 1, 1024, 64], strides = [1, 1, 1, 1]} : vector<2x4x1024x64xf32> to vector<1x1x1024x64xf32>
    %squeeze3A_163 = vector.shape_cast %slice3A_162 : vector<1x1x1024x64xf32> to vector<1024x64xf32>
    %mul3A_164 = vector.broadcast %squeeze3A_161 : f32 to vector<1024x64xf32>
    %mul3A_165 = arith.mulf %mul3A_164, %squeeze3A_163 : vector<1024x64xf32>
    %slice3A_166 = vector.extract_strided_slice %div3A_29 {offsets = [1, 1], sizes = [1, 1], strides = [1, 1]} : vector<2x4xf32> to vector<1x1xf32>
    %squeeze3A_167 = vector.extract %slice3A_166[0, 0] : f32 from vector<1x1xf32>
    %slice3A_168 = vector.extract_strided_slice %add3A_11 {offsets = [1, 1, 0, 0], sizes = [1, 1, 1024, 64], strides = [1, 1, 1, 1]} : vector<2x4x1024x64xf32> to vector<1x1x1024x64xf32>
    %squeeze3A_169 = vector.shape_cast %slice3A_168 : vector<1x1x1024x64xf32> to vector<1024x64xf32>
    %mul3A_170 = vector.broadcast %squeeze3A_167 : f32 to vector<1024x64xf32>
    %mul3A_171 = arith.mulf %mul3A_170, %squeeze3A_169 : vector<1024x64xf32>
    %add3A_172 = arith.addf %mul3A_165, %mul3A_171 : vector<1024x64xf32>
    %slice3A_173 = vector.extract_strided_slice %div3A_29 {offsets = [1, 2], sizes = [1, 1], strides = [1, 1]} : vector<2x4xf32> to vector<1x1xf32>
    %squeeze3A_174 = vector.extract %slice3A_173[0, 0] : f32 from vector<1x1xf32>
    %slice3A_175 = vector.extract_strided_slice %add3A_11 {offsets = [1, 2, 0, 0], sizes = [1, 1, 1024, 64], strides = [1, 1, 1, 1]} : vector<2x4x1024x64xf32> to vector<1x1x1024x64xf32>
    %squeeze3A_176 = vector.shape_cast %slice3A_175 : vector<1x1x1024x64xf32> to vector<1024x64xf32>
    %mul3A_177 = vector.broadcast %squeeze3A_174 : f32 to vector<1024x64xf32>
    %mul3A_178 = arith.mulf %mul3A_177, %squeeze3A_176 : vector<1024x64xf32>
    %add3A_179 = arith.addf %add3A_172, %mul3A_178 : vector<1024x64xf32>
    %slice3A_180 = vector.extract_strided_slice %div3A_29 {offsets = [1, 3], sizes = [1, 1], strides = [1, 1]} : vector<2x4xf32> to vector<1x1xf32>
    %squeeze3A_181 = vector.extract %slice3A_180[0, 0] : f32 from vector<1x1xf32>
    %slice3A_182 = vector.extract_strided_slice %add3A_11 {offsets = [1, 3, 0, 0], sizes = [1, 1, 1024, 64], strides = [1, 1, 1, 1]} : vector<2x4x1024x64xf32> to vector<1x1x1024x64xf32>
    %squeeze3A_183 = vector.shape_cast %slice3A_182 : vector<1x1x1024x64xf32> to vector<1024x64xf32>
    %mul3A_184 = vector.broadcast %squeeze3A_181 : f32 to vector<1024x64xf32>
    %mul3A_185 = arith.mulf %mul3A_184, %squeeze3A_183 : vector<1024x64xf32>
    %add3A_186 = arith.addf %add3A_179, %mul3A_185 : vector<1024x64xf32>
    %slice3A_187 = vector.extract_strided_slice %dot_general3A_91 {offsets = [0, 64], sizes = [1024, 64], strides = [1, 1]} : vector<1024x128xf32> to vector<1024x64xf32>
    %add3A_188 = arith.addf %slice3A_187, %get3A_103 : vector<1024x64xf32>
    %add3A_189 = arith.addf %add3A_188, %add3A_186 : vector<1024x64xf32>
    %swap3A_190 = arith.constant 1 : index
    %swap3A_191 = arith.constant 3 : index
    %swap3A_192 = arith.constant 0 : index
    %swap3A_193 = arith.constant 0 : index
    %swap3A_194 = vector.load %arg14[%swap3A_190, %swap3A_191, %swap3A_192, %swap3A_193] : memref<2x4x1024x64xf32, #tpu.memory_space<vmem>>, vector<1x1x1024x64xf32>
    %swap3A_195 = vector.shape_cast %swap3A_194 : vector<1x1x1024x64xf32> to vector<1024x64xf32>
    %swap3A_196 = vector.shape_cast %add3A_189 : vector<1024x64xf32> to vector<1x1x1024x64xf32>
    tpu.vector_store %arg14[%swap3A_190, %swap3A_191, %swap3A_192, %swap3A_193], %swap3A_196 {strides = array<i32>} : memref<2x4x1024x64xf32, #tpu.memory_space<vmem>>, vector<1x1x1024x64xf32>,
    %convert_element_type3A_197 = arith.truncf %add3A_189 : vector<1024x64xf32> to vector<1024x64xbf16>
    %convert_element_type3A_198 = arith.extf %convert_element_type3A_197 : vector<1024x64xbf16> to vector<1024x64xf32>
    %broadcast_in_dim3A_199 = vector.shape_cast %convert_element_type3A_100 : vector<64xf32> to vector<1x64xf32>
    %mul3A_200 = vector.broadcast %broadcast_in_dim3A_199 : vector<1x64xf32> to vector<1024x64xf32>
    %mul3A_201 = arith.mulf %convert_element_type3A_198, %mul3A_200 : vector<1024x64xf32>
    %reduce_sum3A_202 = arith.constant dense<0.000000e+00> : vector<1024xf32>
    %reduce_sum3A_203 = vector.multi_reduction <add>, %mul3A_201, %reduce_sum3A_202 [1] : vector<1024x64xf32> to vector<1024xf32>
    %broadcast_in_dim3A_204 = vector.shape_cast %reduce_sum3A_203 : vector<1024xf32> to vector<1024x1xf32>
    %get3A_205 = arith.constant 0 : index
    %get3A_206 = vector.load %arg11[%get3A_205] : memref<1xf32, #tpu.memory_space<vmem>>, vector<1xf32>
    %get3A_207 = vector.extract %get3A_206[0] : f32 from vector<1xf32>
    %add3A_208 = vector.broadcast %get3A_207 : f32 to vector<1024x1xf32>
    %add3A_209 = arith.addf %broadcast_in_dim3A_204, %add3A_208 : vector<1024x1xf32>
    %swap3A_210 = arith.constant 1 : index
    %swap3A_211 = arith.constant 0 : index
    %swap3A_212 = arith.constant 0 : index
    %swap3A_213 = vector.load %arg13[%swap3A_210, %swap3A_211, %swap3A_212] : memref<2x1024x1xf32, #tpu.memory_space<vmem>>, vector<1x1024x1xf32>
    %swap3A_214 = vector.shape_cast %swap3A_213 : vector<1x1024x1xf32> to vector<1024x1xf32>
    %swap3A_215 = vector.shape_cast %add3A_209 : vector<1024x1xf32> to vector<1x1024x1xf32>
    tpu.vector_store %arg13[%swap3A_210, %swap3A_211, %swap3A_212], %swap3A_215 {strides = array<i32>} : memref<2x1024x1xf32, #tpu.memory_space<vmem>>, vector<1x1024x1xf32>,
    return
  }
  func.func @transform_0(%arg0: i32) -> (i32, i32, i32) {
    %c0_i32 = arith.constant 0 : i32
    %c0_i32_0 = arith.constant 0 : i32
    %c0_i32_1 = arith.constant 0 : i32
    return %arg0, %c0_i32, %c0_i32_0 : i32, i32, i32
  }
  func.func @transform_1(%arg0: i32) -> (i32, i32, i32, i32) {
    %c0_i32 = arith.constant 0 : i32
    %c0_i32_0 = arith.constant 0 : i32
    %c0_i32_1 = arith.constant 0 : i32
    %c0_i32_2 = arith.constant 0 : i32
    return %arg0, %c0_i32, %c0_i32_0, %c0_i32_1 : i32, i32, i32, i32
  }
  func.func @transform_2(%arg0: i32) -> (i32, i32) {
    %c0_i32 = arith.constant 0 : i32
    %c0_i32_0 = arith.constant 0 : i32
    %c0_i32_1 = arith.constant 0 : i32
    return %c0_i32, %c0_i32_0 : i32, i32
  }
  func.func @transform_3(%arg0: i32) -> i32 {
    %c0_i32 = arith.constant 0 : i32
    %c0_i32_0 = arith.constant 0 : i32
    return %c0_i32 : i32
  }
  func.func @transform_4(%arg0: i32) -> (i32, i32) {
    %c0_i32 = arith.constant 0 : i32
    %c0_i32_0 = arith.constant 0 : i32
    %c0_i32_1 = arith.constant 0 : i32
    return %c0_i32, %c0_i32_0 : i32, i32
  }
  func.func @transform_5(%arg0: i32) -> (i32, i32) {
    %c0_i32 = arith.constant 0 : i32
    %c0_i32_0 = arith.constant 0 : i32
    %c0_i32_1 = arith.constant 0 : i32
    return %c0_i32, %c0_i32_0 : i32, i32
  }
  func.func @transform_6(%arg0: i32) -> (i32, i32, i32) {
    %c0_i32 = arith.constant 0 : i32
    %c0_i32_0 = arith.constant 0 : i32
    %c0_i32_1 = arith.constant 0 : i32
    %c0_i32_2 = arith.constant 0 : i32
    return %c0_i32, %c0_i32_0, %c0_i32_1 : i32, i32, i32
  }
  func.func @transform_7(%arg0: i32) -> (i32, i32) {
    %c0_i32 = arith.constant 0 : i32
    %c0_i32_0 = arith.constant 0 : i32
    %c0_i32_1 = arith.constant 0 : i32
    return %c0_i32, %c0_i32_0 : i32, i32
  }
  func.func @transform_8(%arg0: i32) -> i32 {
    %c0_i32 = arith.constant 0 : i32
    %c0_i32_0 = arith.constant 0 : i32
    return %c0_i32 : i32
  }
  func.func @transform_9(%arg0: i32) -> i32 {
    %c0_i32 = arith.constant 0 : i32
    %c0_i32_0 = arith.constant 0 : i32
    return %c0_i32 : i32
  }
  func.func @transform_10(%arg0: i32) -> i32 {
    %c0_i32 = arith.constant 0 : i32
    %c0_i32_0 = arith.constant 0 : i32
    return %c0_i32 : i32
  }
  func.func @transform_11(%arg0: i32) -> (i32, i32) {
    %c0_i32 = arith.constant 0 : i32
    %c0_i32_0 = arith.constant 0 : i32
    %c0_i32_1 = arith.constant 0 : i32
    return %c0_i32, %c0_i32_0 : i32, i32
  }
  func.func @transform_12(%arg0: i32) -> (i32, i32, i32) {
    %c0_i32 = arith.constant 0 : i32
    %c0_i32_0 = arith.constant 0 : i32
    %c0_i32_1 = arith.constant 0 : i32
    return %arg0, %c0_i32, %c0_i32_0 : i32, i32, i32
  }
  func.func @transform_13(%arg0: i32) -> (i32, i32, i32, i32) {
    %c0_i32 = arith.constant 0 : i32
    %c0_i32_0 = arith.constant 0 : i32
    %c0_i32_1 = arith.constant 0 : i32
    %c0_i32_2 = arith.constant 0 : i32
    return %arg0, %c0_i32, %c0_i32_0, %c0_i32_1 : i32, i32, i32, i32
  }
}

</mosaic_0001>

<sc_bundles>
// kernel: sparse-core-data-format-call.cloned.1.call-start
scs
called_computation_lowered:
.L_overlay_start_0:
0x0: {  	s2 =	sld [smem:$0x3FD9]  }
0x1: {  	s3 =	sld [smem:$0x3FFE];
	_ =	sdelay $0x1  }
0x2: {  	s1 =	srdreg.scid  }
0x3: {  	s0 =	sand.u32 $0x1, s1  }
0x4: {  	s15 =	sshll.u32 s0, $0xA;
	s2 =	sadd.s32 s3, s2  }
0x5: {  	s2 =	sadd.s32 s2, s15  }
0x6: {  	[smem:$0x3FBC] =	sst s2  }
0x7: {  	_ = 	snop  }
0x8: {  	s2 =	sld [smem:$0x3FD0];
	_ =	sdelay $0x2  }
0x9: {  	s16 =	simm.s32 $0xA;
	s4 =	simm.s32 $0x10  }
0xa: {  	[smem:s4], [sflag:s16] =	dma.local [hbm:s2], $0x1  }
0xb: {  	_ =	swait.eq [sflag:s16], $0x1  }
0xc: {  	[sflag:s16] =	ssyncset.done $0x0  }
0xd: {  	[sflag:s16] =	ssyncadd.s32 $0xFFFFFFFF  }
0xe: {  	s17 =	sld [smem:$0x11];
	(tm) =	ssettm $0x1  }
0xf: {  	s18 =	sld [smem:$0x3FFB];
	_ =	sdelay $0x3  }
0x10: {  	_ =	strace s18  }
0x11: {  	s3 =	sld [smem:$0x3FFC];
	_ =	sdelay $0x3  }
0x12: {  	_ =	strace s3  }
0x13: {  	s3 =	sld [smem:$0x3FFD];
	_ =	sdelay $0x3  }
0x14: {  	_ =	strace s3  }
0x15: {  	_ =	strace $0x8FFFFFFF  }
0x16: {  	s19 =	sld [smem:$0x3FDB];
	_ =	sdelay $0x1  }
0x17: {  	s20 =	simm.s32 $_scs_section_size  }
0x18: {  	s5 =	simm.s32 $_size__tile_overlayer_lowered;
	s6 =	simm.s32 $_tile_overlayer_lowered  }
0x19: {  	s23 =	simm.s32 $0x1BFF;
	s22 =	sshll.u32 s6, $0x1;
	s3 =	sadd.s32 s20, s19  }
0x1a: {  	s7 =	simm.s32 $0x0;
	s21 =	sshll.u32 s5, $0x1;
	s5 =	sadd.s32 s22, s3  }
0x1b: {  	[timem:s7], [sflag:s23] =	dma.local [hbm:s5], s21  }
0x1c: {  	_ =	swait.ge [sflag:s23], s21  }
0x1d: {  	s4 =	ssub.s32 $0x0, s21;
	[sflag:s23] =	ssyncset.done $0x0  }
0x1e: {  	[sflag:s23] =	ssyncadd.s32 s4;
	_ =	sdelay $0x1  }
0x1f: {  	s24 =	simm.s32 $0x1B8B  }
0x20: {  	_ =	swait.ge [sflag:s24], $0x1  }
0x21: {  	[sflag:s24] =	ssyncset.done $0x0  }
0x22: {  	s26 =	simm.s32 $0x1B8E;
	s25 =	sld [smem:$0x3FFE];
	[sflag:s24] =	ssyncadd.s32 $0xFFFFFFFF  }
0x23: {  	s27 =	simm.s32 $execute0_lowered;
	[smem:$0x3FD2] =	sst s26  }
0x24: {  	s5 =	sshll.u32 s27, $0x1;
	_ =	strace $0x80000046;
	[dreg:$0x1] =	wrdreg $0xFFFFFFFF  }
0x25: {  	s28 =	simm.s32 $_size_execute0_lowered;
	s3 =	sadd.s32 s3, s5;
	[dreg:$0x0] =	wrdreg $0x0  }
0x26: {  	s5 =	sshll.u32 s28, $0x1;
	[dreg:$0x2] =	wrdreg s3  }
0x27: {  	[dreg:$0x3] =	wrdreg s5  }
0x28: {  	[dreg:$0x4] =	wrdreg $0xC0  }
0x29: {  	_ =	task [dreg:s7], $0x5FFFF  }
0x2a: {  	[dreg:$0x1] =	wrdreg $0xFFFFFFFF  }
0x2b: {  	[dreg:$0x0] =	wrdreg $0x60  }
0x2c: {  	[dreg:$0x2] =	wrdreg s25  }
0x2d: {  	[dreg:$0x3] =	wrdreg s17  }
0x2e: {  	[dreg:$0x4] =	wrdreg $0x9  }
0x2f: {  	_ =	task.clear_ibuf [dreg:s7], $0x5FFFF;
	_ =	strace $0x90000046  }
0x30: {  	s29 =	simm.s32 $0x9;
	_ =	strace $0x80000048  }
0x31: {  	_ =	swait.ge [sflag:s29], $0x1  }
0x32: {  	[sflag:s29] =	ssyncadd.s32 $0xFFFFFFFF  }
0x33: {  	_ =	strace $0x90000048  }
0x34: {  	_ =	sfence  }
0x35: {  	s30 =	sld [smem:$0x0];
	_ =	sdelay $0x2  }
0x36: {  	s31 =	sshll.u32 s1, $0xD;
	s1 =	sshrl.u32 s1, $0x2  }
0x37: {  	s3 =	sand.u32 $0x4000, s31;
	s1 =	sadd.s32 s1, s30  }
0x38: {  	s0 =	sor.u32 s3, s0;
	s1 =	sshll.u32 s1, $0x11  }
0x39: {  	s0 =	sor.u32 s1, s0  }
0x3a: {  	s0 =	sadd.s32 $0x8F2B, s0  }
0x3b: {  	[sflag:s0] =	ssyncadd.remote.s32 $0x1  }
0x3c: {  	_ =	sfence.sel $0xFFFF  }
0x3d: {  	[dreg:$0x0] =	wrdreg $0xFFFFFFFF;
	(pc) =	sbr.abs _section_cstart, $3  }
0x3e: {  	[dreg:$0x1] =	wrdreg $0xFFFFFFFF  }
0x3f: {  	_ =	task.clear_ibuf [dreg:s7], $0x2FFFF;
	_ =	strace $0x9FFFFFFF  }
0x40: {  	(tm) =	ssettm $0x7FFFFFFF  }
0x41: {  	_ =	shalt  }
tec
execute0_lowered:
.L_overlay_start_1:
0x0: {  	(tag) =	ssettag $0x1  }
0x1: {  	s6 =	rddreg [dreg:$0x0]  }
0x2: {  	s2 =	rddreg [dreg:$0x1]  }
0x3: {  	s0 =	rddreg [dreg:$0x2];
	_ =	strace $0x80000047  }
0x4: {  	s3 =	srdreg.scid;
	s1 =	stileid.u32;
	s7 =	simm.s32 $0x2  }
0x5: {  	s12 =	simm.s32 $0x0;
	p0 =	por $0x0, $0x0;
	s13 =	simm.s32 $0x0  }
.Ltmp0:
0x6: {  	s14 =	simm.s32 $0x0;
	s9 =	simm.s32 $0x0;
	(pc) =	sbr.rel .LBB1_1-.Ltmp0, $4  }
0x7: {  	s10 =	simm.s32 $0x0;
	s4 =	sshll.u32 s3, $0x4;
	s3 =	simm.s32 $0x1  }
0x8: {  	s8 =	simm.s32 $0x0;
	s5 =	sand.u32 $0x10, s4;
	[sflag:s3] =	ssyncpa.u1 $0x0  }
0x9: {  	s4 =	sadd.s32 $0x200000, s6;
	s6 =	sadd.s32 $0x204000, s6;
	s5 =	sor.u32 s1, s5  }
0xa: {  	[sflag:s7] =	ssyncpa.u1 $0x0;
	s7 =	simm.s32 $0x2000;
	s11 =	smov.u32 s5  }
.LBB1_7:
0xb: {  	s15 =	sadd.s32 $0x80, s9  }
0xc: {  	s12 =	sadd.s32 $0x2, s10;
	s16 =	smov.u32 s10;
	p2 =	sgt.s32 s15, $0x3FF  }
0xd: {  	s16 =	smov.u32 @p2 s12  }
0xe: {  	s18 =	smov.u32 s11;
	s12 =	sadd.s32 $0x20, s11;
	p3 =	sgt.s32 s16, $0x3  }
0xf: {  	p1 =	slt.u32 s8, $0x2;
	s18 =	smov.u32 @p3 s12  }
0x10: {  	s8 =	sadd.s32 $0x1, s8;
	s15 =	simm.s32 @p2 $0x0;
	p2 =	sgt.s32 s18, $0x1F  }
0x11: {  	s18 =	smov.u32 @p2 s5;
	p2 =	sne.s32 s8, $0x12  }
.Ltmp1:
0x12: {  	s17 =	simm.s32 @!p1 $0x2;
	(pc) =	sbr.rel @!p2 .LBB1_8-.Ltmp1, $4  }
0x13: {  	s13 =	smov.u32 s10;
	_ =	swait.ge @!p1 [sflag:s17], $0x4000  }
0x14: {  	s14 =	smov.u32 s11;
	p0 =	por !p0, !p0;
	[sflag:s17] =	ssyncset.done @!p1 $0x0  }
0x15: {  	s16 =	simm.s32 @p3 $0x0;
	s12 =	smov.u32 s9;
	[sflag:s17] =	ssyncadd.s32 @!p1 $0xFFFFC000  }
0x16: {  	s9 =	smov.u32 s15;
	s10 =	smov.u32 s16;
	s11 =	smov.u32 s18  }
.LBB1_1:
0x17: {  	p1 =	sgt.u32 s8, $0xF  }
0x18: {  	s15 =	sxor.u32 @!p1 $0xFFFFFFFF, s8;
	s16 =	sshll.u32 @!p1 s11, $0x10  }
0x19: {  	s17 =	sshll.u32 @!p1 s10, $0xE;
	s19 =	sshll.u32 @!p1 s9, $0x4;
	s20 =	simm.s32 @!p1 $0x40  }
0x1a: {  	s21 =	simm.s32 @!p1 $0x80;
	s15 =	sshll.u32 @!p1 s15, $0xE;
	s18 =	sadd.s32 @!p1 s16, s17  }
0x1b: {  	s19 =	sand.u32 @!p1 $0x3FF0, s19;
	s16 =	sadd.s32 @!p1 s16, s6;
	s18 =	sadd.s32 @!p1 s4, s18  }
0x1c: {  	s15 =	sand.u32 @!p1 $0x4000, s15;
	s16 =	sadd.s32 @!p1 s17, s16;
	s18 =	sadd.s32 @!p1 s19, s18  }
0x1d: {  	[tilespmem:s15], [sflag:$0x1] =	stream.strided.gather @!p1 [hbm4b:s18+s20], $0x2000, s21, s20, $0x38;
	[tilespmem:$0x10100] =	vst v63  }
0x1e: {  	s16 =	sadd.s32 @!p1 s19, s16;
	s15 =	sor.u32 @!p1 $0x2000, s15  }
0x1f: {  	[tilespmem:s15], [sflag:$0x1] =	stream.strided.gather @!p1 [hbm4b:s16+s20], $0x2000, s21, s20, $0x38;
	[tilespmem:$0x10100] =	vst v63  }
0x20: {  	p1 =	seq.s32 s8, $0x0  }
0x21: {  	p2 =	seq.s32 @!p1 s8, $0x11  }
0x22: {  	p1 =	por p1, p2  }
.Ltmp2:
0x23: {  	_ = 	snop;
	(pc) =	sbr.rel @p1 .LBB1_7-.Ltmp2, $1  }
0x24: {  	_ =	sdelay $0x3  }
0x25: {  	s15 =	simm.s32 $0x1;
	s17 =	sand.u32 $0x1, s8  }
0x26: {  	_ =	swait.ge [sflag:s3], $0x4000;
	s15 =	simm.s32 @!p0 $0x0;
	s17 =	smul.u32 $0x10200, s17  }
0x27: {  	p2 =	por $0x1, $0x1;
	[sflag:s3] =	ssyncset.done $0x0;
	s16 =	smul.u32 $0x10200, s15  }
0x28: {  	s18 =	sshll.u32 s15, $0x10;
	[sflag:s3] =	ssyncadd.s32 $0xFFFFC000;
	s30 =	sshrl.u32 s17, $0x2  }
0x29: {  	s31 =	sshrl.u32 s18, $0x2;
	s18 =	simm.s32 $0x0;
	s16 =	sshrl.u32 s16, $0x2  }
0x2a: {  	s15 =	sor.u32 $0x8000, s30;
	s17 =	sadd.s32 $0x20, s31;
	s16 =	sor.u32 $0x8000, s16  }
.LBB1_3:
0x2b: {  	s19 =	sshll.u32 s18, $0xD  }
0x2c: {  	s19 =	sand.u32 $0x3FFFE000, s19  }
0x2d: {  	s21 =	sadd.s32 s19, s17  }
0x2e: {  	s31 =	smul.u32 $0x8100, s18;
	v3 =	vld [tilespmem:s21+$0x10]  }
0x2f: {  	v1 =	vld [tilespmem:s21+$0xFFFFFFF0]  }
0x30: {  	s18 =	sshra.s32 s31, $0x2;
	v0 =	vld [tilespmem:s21+$0x0]  }
0x31: {  	s18 =	sadd.s32 s18, s16;
	v2 =	vld [tilespmem:s21+$0xFFFFFFE0]  }
0x32: {  	s19 =	sadd.s32 $0x0, s18  }
0x33: {  	p1 =	por p2, p2;
	s20 =	simm.s32 $0x4;
	s21 =	sadd.s32 $0x40, s21;
	[tilespmem:s19+$0x1830 ss:$0x81] =	vst.msk $0xffff, v3  }
.LBB1_4:
0x34: {  	v3 =	vld [tilespmem:s21+$0x10];
	p2 =	sne.s32 s20, $0x1FC;
	[tilespmem:s19+$0x810 ss:$0x81] =	vst.msk $0xffff, v1;
	s22 =	smov.u32 s20;
	s20 =	sadd.s32 $0x4, s20  }
.Ltmp3:
0x35: {  	v1 =	vld [tilespmem:s21+$0xFFFFFFF0];
	[tilespmem:s19+$0x1020 ss:$0x81] =	vst.msk $0xffff, v0;
	(pc) =	sbr.rel @p2 .LBB1_4-.Ltmp3, $4  }
0x36: {  	v0 =	vld [tilespmem:s21+$0x0];
	[tilespmem:s19+$0x0 ss:$0x81] =	vst.msk $0xffff, v2  }
0x37: {  	s19 =	sshra.s32 s22, $0x2;
	v2 =	vld [tilespmem:s21+$0xFFFFFFE0]  }
0x38: {  	s19 =	sadd.s32 s19, s18  }
0x39: {  	s21 =	sadd.s32 $0x40, s21;
	[tilespmem:s19+$0x1830 ss:$0x81] =	vst.msk $0xffff, v3  }
.Ltmp4:
0x3a: {  	(pc) =	sbr.rel @p1 .LBB1_3-.Ltmp4, $4  }
0x3b: {  	_ = 	snop  }
0x3c: {  	[tilespmem:s19+$0x810 ss:$0x81] =	vst.msk $0xffff, v1  }
0x3d: {  	[tilespmem:s19+$0x1020 ss:$0x81] =	vst.msk $0xffff, v0  }
0x3e: {  	s18 =	simm.s32 $0x1;
	p2 =	por $0x0, $0x0;
	[tilespmem:s19+$0x0 ss:$0x81] =	vst.msk $0xffff, v2  }
0x3f: {  	s14 =	sshll.u32 s14, $0xF;
	s16 =	sand.u32 $0x1F80, s12  }
.Ltmp5:
0x40: {  	s13 =	sshll.u32 s13, $0xD;
	s14 =	sadd.s32 s2, s14;
	(pc) =	sbr.rel .LBB1_7-.Ltmp5, $4  }
0x41: {  	s17 =	sshrl.u32 s12, $0x3;
	s30 =	sand.u32 $0x7, s12;
	s13 =	sadd.s32 s13, s14  }
0x42: {  	s31 =	sand.u32 $0xF, s17;
	s12 =	sshll.u32 s30, $0x12;
	s13 =	sadd.s32 s16, s13  }
0x43: {  	s12 =	sor.u32 $0x400, s12;
	s13 =	sadd.s32 s31, s13  }
0x44: {  	[hbm4b:s13+s12] =	stream.strided.scatter [tilespmem:s15], [sflag:$0x2], $0x4000, s7, s12, $0x20;
	[tilespmem:$0x10100] =	vst v63  }
.LBB1_8:
0x45: {  	_ =	sfence.sel $0x180000  }
0x46: {  	s2 =	simm.s32 $0x1;
	[bflag:$0x0] =	sbarrier.arrive $0xFFFF  }
0x47: {  	s31 =	simm.s32 $0x2;
	[sflag:s2] =	ssyncpa.u1 $0x1  }
0x48: {  	[sflag:s31] =	ssyncpa.u1 $0x1  }
0x49: {  	p0 =	sne.s32 s1, $0x0;
	_ =	strace $0x90000047  }
0x4a: {  	s0 =	sadd.s32 @!p0 $0x100000, s0;
	[bflag:$0x2] =	sbarrier.arrive $0xFFFF  }
0x4b: {  	[sflag:s0] =	ssyncadd.tile.s32 @!p0 $0x1;
	_ =	shalt  }
.Lfunc_end1:
_tile_overlayer_lowered:
.L_overlay_start_2:
0x4c: {  	(tag) =	ssettag $0x2  }
0x4d: {  	s0 =	rddreg [dreg:$0x0];
	s2 =	stileid.u32  }
0x4e: {  	s1 =	rddreg [dreg:$0x1];
	p0 =	sne.s32 s2, $0x0  }
0x4f: {  	s3 =	rddreg [dreg:$0x2];
	[bflag:$0x3] =	sbarrier.arrive $0xFFFF;
	s2 =	simm.s32 @!p0 $0x1C01  }
0x50: {  	[timem:s3], [sflag:s2] =	dma.local @!p0 [hbm:s0], s1  }
0x51: {  	s0 =	simm.s32 @!p0 $0x1  }
0x52: {  	_ =	swait.ge @!p0 [sflag:s0], s1  }
0x53: {  	s1 =	ssub.s32 @!p0 $0x0, s1;
	[sflag:s0] =	ssyncset.done @!p0 $0x0  }
0x54: {  	[sflag:s0] =	ssyncadd.s32 @!p0 s1  }
0x55: {  	[bflag:$0x3] =	sbarrier.arrive $0xFFFF  }
0x56: {  	_ =	shalt  }

</sc_bundles>
